<compile_context>
chip_gen: v7x
topology: tpu7x:2x2x1
jax: 0.10.2.dev20260603
libtpu: 0.0.44.dev20260713+nightly
codegen_flags: <defaults>
</compile_context>

<pallas_src>
import functools

import jax
import jax.numpy as jnp
from jax import lax
from jax.experimental import pallas as pl
from jax.experimental.pallas import tpu as pltpu
from jax.experimental.pallas import tpu_sc as plsc

F = 26
V = 100000
D = 16
B = 16384

NC = 2
NS = 16
NW = NC * NS
L = 16

TB = B // NW
SB = 128
NSUP = TB // SB
NHALF = 2


def _emb_kernel(idx_hbm, tab_hbm, out_hbm, idx_v, stage, hsem, osem):
    wid = lax.axis_index("s") * NC + lax.axis_index("c")
    b0 = wid * TB

    pltpu.sync_copy(idx_hbm.at[pl.ds(b0, TB)], idx_v)

    lane = lax.iota(jnp.int32, L)
    off_lo = lane * V
    f_hi = lane + (F - L)
    off_hi = jnp.where(lane >= 2 * L - F, f_hi * V, 0)

    def off_body(b, _):
        idx_v[b, pl.ds(0, L)] = idx_v[b, pl.ds(0, L)] + off_lo
        idx_v[b, pl.ds(F - L, L)] = idx_v[b, pl.ds(F - L, L)] + off_hi
        return 0

    lax.fori_loop(0, TB, off_body, 0)

    def fill(g, s):
        def fire(k, _):
            pltpu.async_copy(
                tab_hbm.at[idx_v.at[g * SB + k]], stage.at[s, k], hsem.at[s]
            )
            return 0

        lax.fori_loop(0, SB, fire, 0)

        def drain(k, _):
            pltpu.make_async_copy(
                tab_hbm.at[idx_v.at[g * SB + k]], stage.at[s, k], hsem.at[s]
            ).wait()
            return 0

        lax.fori_loop(0, SB, drain, 0)

    def write_start(g, s):
        pltpu.async_copy(
            stage.at[s], out_hbm.at[pl.ds(b0 + g * SB, SB)], osem.at[s]
        )

    def write_wait(g, s):
        pltpu.make_async_copy(
            stage.at[s], out_hbm.at[pl.ds(b0 + g * SB, SB)], osem.at[s]
        ).wait()

    fill(0, 0)

    def super_body(g, _):
        s = lax.rem(g, NHALF)
        write_start(g, s)
        nxt = g + 1

        @pl.when(nxt < NSUP)
        def _():
            sn = lax.rem(nxt, NHALF)

            @pl.when(nxt >= NHALF)
            def _():
                write_wait(nxt - NHALF, sn)

            fill(nxt, sn)

        return 0

    lax.fori_loop(0, NSUP, super_body, 0)

    write_wait(NSUP - 2, NSUP % NHALF)
    write_wait(NSUP - 1, (NSUP - 1) % NHALF)


@jax.jit
def kernel(indices, tables):
    tab_flat = tables.reshape(F * V, D)
    run = functools.partial(
        pl.kernel,
        mesh=plsc.VectorSubcoreMesh(core_axis_name="c", subcore_axis_name="s"),
        out_type=jax.ShapeDtypeStruct((B, F, D), jnp.float32),
        scratch_types=[
            pltpu.VMEM((TB, F), jnp.int32),
            pltpu.VMEM((NHALF, SB, F, D), jnp.float32),
            pltpu.SemaphoreType.DMA((NHALF,)),
            pltpu.SemaphoreType.DMA((NHALF,)),
        ],
        compiler_params=pltpu.CompilerParams(use_tc_tiling_on_sc=False),
    )(_emb_kernel)
    return run(indices, tab_flat)

# --- scband reference (transcript-rebuilt; emitter-appended) ---
"""Pipeline reference for scband-categorical-features-embedding-49546742726738 (READ-ONLY COPY).

The authoritative reference and input builder live on the scoring server;
editing this copy changes nothing except your own understanding.
"""

import jax, jax.numpy as jnp
import numpy as np

N_FIELDS = 26
VOCAB = 100000
DIM = 16
BATCH = 16384


def setup_inputs(seed: int = 0) -> dict:
    key = jax.random.key(seed)
    k1, k2 = jax.random.split(key)
    # integer category ids per feature (StringLookup output equivalent)
    indices = jax.random.randint(k1, (BATCH, N_FIELDS), 0, VOCAB, dtype=jnp.int32)
    # one embedding table per categorical feature, stacked: [F, V, D]
    tables = jax.random.normal(k2, (N_FIELDS, VOCAB, DIM), dtype=jnp.float32) * 0.05
    return {"indices": indices, "tables": tables}


def reference(indices, tables):
    # Faithful translation of CategoricalFeaturesEmbedding.call:
    # per-feature lookup -> embedding -> expand to [B, 1, D] -> concat on axis=1
    embs = []
    for f in range(N_FIELDS):
        enc = jnp.take(tables[f], indices[:, f], axis=0)  # [B, D]
        embs.append(enc[:, None, :])  # [B, 1, D]
    return jnp.concatenate(embs, axis=1)  # [B, F, D]

if __name__ == "__main__":
    import jax
    _d = setup_inputs()
    print(jax.jit(kernel)(*tuple(_d.values())))

</pallas_src>

<mosaic_0001>
#map = affine_map<(d0, d1) -> (0, 0)>
#map1 = affine_map<(d0, d1) -> (0, 0, 0)>
module attributes {stable_mosaic.version = 14 : i64} {
  func.func @_emb_kernel(%arg0: i32, %arg1: i32, %arg2: memref<16384x26xi32, #tpu.memory_space<hbm>>, %arg3: memref<2600000x16xf32, #tpu.memory_space<hbm>>, %arg4: memref<16384x26x16xf32, #tpu.memory_space<hbm>>, %arg5: memref<512x26xi32, #tpu.memory_space<vmem>>, %arg6: memref<2x128x26x16xf32, #tpu.memory_space<vmem>>, %arg7: memref<2x!tpu.dma_semaphore, #tpu.memory_space<semaphore_mem>>, %arg8: memref<2x!tpu.dma_semaphore, #tpu.memory_space<semaphore_mem>>) attributes {dimension_semantics = [#tpu.dimension_semantics<core_parallel>, #tpu.dimension_semantics<subcore_parallel>], iteration_bounds = array<i64: 2, 16>, scalar_prefetch = 0 : i64, scratch_operands = 4 : i64, tpu.core_type = #tpu.core_type<sc_vector_subcore>, window_params = [{transform_indices = #map}, {transform_indices = #map}, {transform_indices = #map1}]} {
    %mul3A = arith.constant 2 : i32
    %mul3A_0 = arith.muli %arg1, %mul3A : i32
    %add3A = arith.addi %mul3A_0, %arg0 : i32
    %mul3A_1 = arith.constant 512 : i32
    %mul3A_2 = arith.muli %add3A, %mul3A_1 : i32
    "tpu.region"() ({
      %run_scoped3A = tpu.sem_alloc : memref<!tpu.dma_semaphore, #tpu.memory_space<semaphore_mem>>
      %dma_start3A = arith.constant 0 : i32
      %dma_start3A_84 = tpu.memref_slice %arg2[%mul3A_2, %dma_start3A] : memref<16384x26xi32, #tpu.memory_space<hbm>> -> memref<512x26xi32, #tpu.memory_space<hbm>>
      %dma_start3A_85 = arith.constant 0 : i32
      %dma_start3A_86 = tpu.memref_slice %arg2[%mul3A_2, %dma_start3A_85] : memref<16384x26xi32, #tpu.memory_space<hbm>> -> memref<512x26xi32, #tpu.memory_space<hbm>>
      tpu.enqueue_dma source(%dma_start3A_86 : memref<512x26xi32, #tpu.memory_space<hbm>>) target(%arg5 : memref<512x26xi32, #tpu.memory_space<vmem>>) target_semaphore(%run_scoped3A : memref<!tpu.dma_semaphore, #tpu.memory_space<semaphore_mem>>)
      %dma_wait3A_87 = arith.constant 0 : i32
      %dma_wait3A_88 = tpu.memref_slice %arg2[%mul3A_2, %dma_wait3A_87] : memref<16384x26xi32, #tpu.memory_space<hbm>> -> memref<512x26xi32, #tpu.memory_space<hbm>>
      %dma_wait3A_89 = arith.constant 0 : i32
      %dma_wait3A_90 = tpu.memref_slice %arg2[%mul3A_2, %dma_wait3A_89] : memref<16384x26xi32, #tpu.memory_space<hbm>> -> memref<512x26xi32, #tpu.memory_space<hbm>>
      tpu.wait_dma2 semaphore(%run_scoped3A : memref<!tpu.dma_semaphore, #tpu.memory_space<semaphore_mem>>) src(%dma_wait3A_90 : memref<512x26xi32, #tpu.memory_space<hbm>>) dst(%arg5 : memref<512x26xi32, #tpu.memory_space<vmem>>)
      tpu.yield
    }) : () -> ()
    %iota3A = tpu.iota {dimensions = array<i32: 0>} : vector<16xi32>
    %mul3A_3 = arith.constant 100000 : i32
    %mul3A_4 = vector.broadcast %mul3A_3 : i32 to vector<16xi32>
    %mul3A_5 = arith.muli %iota3A, %mul3A_4 : vector<16xi32>
    %add3A_6 = arith.constant 10 : i32
    %add3A_7 = vector.broadcast %add3A_6 : i32 to vector<16xi32>
    %add3A_8 = arith.addi %iota3A, %add3A_7 : vector<16xi32>
    %ge3A = arith.constant 6 : i32
    %ge3A_9 = vector.broadcast %ge3A : i32 to vector<16xi32>
    %ge3A_10 = arith.cmpi sge, %iota3A, %ge3A_9 : vector<16xi32>
    %mul3A_11 = arith.constant 100000 : i32
    %mul3A_12 = vector.broadcast %mul3A_11 : i32 to vector<16xi32>
    %mul3A_13 = arith.muli %add3A_8, %mul3A_12 : vector<16xi32>
    %jit3A = arith.constant 0 : i32
    %broadcast_in_dim3A = vector.broadcast %jit3A : i32 to vector<16xi32>
    %select_n3A = arith.select %ge3A_10, %mul3A_13, %broadcast_in_dim3A : vector<16xi1>, vector<16xi32>
    %scan3A = arith.constant 0 : i32
    %scan3A_14 = arith.constant 0 : i32
    %scan3A_15 = arith.constant 512 : i32
    %scan3A_16 = arith.addi %scan3A_14, %scan3A_15 : i32
    %scan3A_17 = arith.constant 1 : i32
    %scan3A_18 = scf.for %scan3A_84 = %scan3A_14 to %scan3A_16 step %scan3A_17 iter_args(%scan3A_85 = %scan3A) -> (i32)  : i32 {
      %get3A = arith.index_cast %scan3A_84 : i32 to index
      %get3A_86 = arith.constant 0 : index
      %get3A_87 = tpu.vector_load %arg5[%get3A, %get3A_86] {strides = array<i32>} : memref<512x26xi32, #tpu.memory_space<vmem>>, vector<1x16xi32>,
      %get3A_88 = vector.shape_cast %get3A_87 : vector<1x16xi32> to vector<16xi32>
      %add3A_89 = arith.addi %get3A_88, %mul3A_5 : vector<16xi32>
      %swap3A = arith.index_cast %scan3A_84 : i32 to index
      %swap3A_90 = arith.constant 0 : index
      %swap3A_91 = tpu.vector_load %arg5[%swap3A, %swap3A_90] {strides = array<i32>} : memref<512x26xi32, #tpu.memory_space<vmem>>, vector<1x16xi32>,
      %swap3A_92 = vector.shape_cast %swap3A_91 : vector<1x16xi32> to vector<16xi32>
      %swap3A_93 = vector.shape_cast %add3A_89 : vector<16xi32> to vector<1x16xi32>
      tpu.vector_store %arg5[%swap3A, %swap3A_90], %swap3A_93 {strides = array<i32>} : memref<512x26xi32, #tpu.memory_space<vmem>>, vector<1x16xi32>,
      %get3A_94 = arith.index_cast %scan3A_84 : i32 to index
      %get3A_95 = arith.constant 10 : index
      %get3A_96 = tpu.vector_load %arg5[%get3A_94, %get3A_95] {strides = array<i32>} : memref<512x26xi32, #tpu.memory_space<vmem>>, vector<1x16xi32>,
      %get3A_97 = vector.shape_cast %get3A_96 : vector<1x16xi32> to vector<16xi32>
      %add3A_98 = arith.addi %get3A_97, %select_n3A : vector<16xi32>
      %swap3A_99 = arith.index_cast %scan3A_84 : i32 to index
      %swap3A_100 = arith.constant 10 : index
      %swap3A_101 = tpu.vector_load %arg5[%swap3A_99, %swap3A_100] {strides = array<i32>} : memref<512x26xi32, #tpu.memory_space<vmem>>, vector<1x16xi32>,
      %swap3A_102 = vector.shape_cast %swap3A_101 : vector<1x16xi32> to vector<16xi32>
      %swap3A_103 = vector.shape_cast %add3A_98 : vector<16xi32> to vector<1x16xi32>
      tpu.vector_store %arg5[%swap3A_99, %swap3A_100], %swap3A_103 {strides = array<i32>} : memref<512x26xi32, #tpu.memory_space<vmem>>, vector<1x16xi32>,
      %scan3A_104 = arith.constant 0 : i32
      scf.yield %scan3A_104 : i32
    }
    %scan3A_19 = arith.constant 512 : i32
    %scan3A_20 = arith.constant 0 : i32
    %scan3A_21 = arith.constant 0 : i32
    %scan3A_22 = arith.constant 128 : i32
    %scan3A_23 = arith.addi %scan3A_21, %scan3A_22 : i32
    %scan3A_24 = arith.constant 1 : i32
    %scan3A_25 = scf.for %scan3A_84 = %scan3A_21 to %scan3A_23 step %scan3A_24 iter_args(%scan3A_85 = %scan3A_20) -> (i32)  : i32 {
      %add3A_86 = arith.constant 0 : i32
      %add3A_87 = arith.addi %add3A_86, %scan3A_84 : i32
      %dma_start3A = arith.constant 0 : i32
      %dma_start3A_88 = arith.constant 0 : i32
      %dma_start3A_89 = arith.constant 0 : i32
      %dma_start3A_90 = arith.constant 0 : i32
      %dma_start3A_91 = tpu.memref_slice %arg6[%dma_start3A, %scan3A_84, %dma_start3A_89, %dma_start3A_90] : memref<2x128x26x16xf32, #tpu.memory_space<vmem>> -> memref<1x1x26x16xf32, #tpu.memory_space<vmem>>
      %dma_start3A_92 = tpu.memref_squeeze %dma_start3A_91 : memref<1x1x26x16xf32, #tpu.memory_space<vmem>> -> memref<26x16xf32, #tpu.memory_space<vmem>>
      %dma_start3A_93 = arith.constant 0 : i32
      %dma_start3A_94 = tpu.memref_slice %arg5[%add3A_87, %dma_start3A_93] : memref<512x26xi32, #tpu.memory_space<vmem>> -> memref<1x26xi32, #tpu.memory_space<vmem>>
      %dma_start3A_95 = tpu.memref_squeeze %dma_start3A_94 : memref<1x26xi32, #tpu.memory_space<vmem>> -> memref<26xi32, #tpu.memory_space<vmem>>
      %dma_start3A_96 = arith.constant 0 : i32
      %dma_start3A_97 = arith.constant 0 : i32
      %dma_start3A_98 = tpu.memref_slice %arg3[%dma_start3A_96, %dma_start3A_97] : memref<2600000x16xf32, #tpu.memory_space<hbm>> -> memref<2600000x16xf32, #tpu.memory_space<hbm>>
      %dma_start3A_99 = tpu.memref_slice %arg7[%dma_start3A_88] : memref<2x!tpu.dma_semaphore, #tpu.memory_space<semaphore_mem>> -> memref<1x!tpu.dma_semaphore, #tpu.memory_space<semaphore_mem>>
      %dma_start3A_100 = tpu.memref_squeeze %dma_start3A_99 : memref<1x!tpu.dma_semaphore, #tpu.memory_space<semaphore_mem>> -> memref<!tpu.dma_semaphore, #tpu.memory_space<semaphore_mem>>
      tpu.enqueue_indirect_dma source(%dma_start3A_98 : memref<2600000x16xf32, #tpu.memory_space<hbm>>) target(%dma_start3A_92 : memref<26x16xf32, #tpu.memory_space<vmem>>) offsets(%dma_start3A_95 : memref<26xi32, #tpu.memory_space<vmem>>) semaphore(%dma_start3A_100 : memref<!tpu.dma_semaphore, #tpu.memory_space<semaphore_mem>>)
      %scan3A_101 = arith.constant 0 : i32
      scf.yield %scan3A_101 : i32
    }
    %scan3A_26 = arith.constant 128 : i32
    %scan3A_27 = arith.constant 0 : i32
    %scan3A_28 = arith.constant 0 : i32
    %scan3A_29 = arith.constant 128 : i32
    %scan3A_30 = arith.addi %scan3A_28, %scan3A_29 : i32
    %scan3A_31 = arith.constant 1 : i32
    %scan3A_32 = scf.for %scan3A_84 = %scan3A_28 to %scan3A_30 step %scan3A_31 iter_args(%scan3A_85 = %scan3A_27) -> (i32)  : i32 {
      %add3A_86 = arith.constant 0 : i32
      %add3A_87 = arith.addi %add3A_86, %scan3A_84 : i32
      %dma_wait3A_88 = arith.constant 0 : i32
      %dma_wait3A_89 = arith.constant 0 : i32
      %dma_wait3A_90 = arith.constant 0 : i32
      %dma_wait3A_91 = arith.constant 0 : i32
      %dma_wait3A_92 = tpu.memref_slice %arg6[%dma_wait3A_88, %scan3A_84, %dma_wait3A_90, %dma_wait3A_91] : memref<2x128x26x16xf32, #tpu.memory_space<vmem>> -> memref<1x1x26x16xf32, #tpu.memory_space<vmem>>
      %dma_wait3A_93 = tpu.memref_squeeze %dma_wait3A_92 : memref<1x1x26x16xf32, #tpu.memory_space<vmem>> -> memref<26x16xf32, #tpu.memory_space<vmem>>
      %dma_wait3A_94 = arith.constant 0 : i32
      %dma_wait3A_95 = tpu.memref_slice %arg5[%add3A_87, %dma_wait3A_94] : memref<512x26xi32, #tpu.memory_space<vmem>> -> memref<1x26xi32, #tpu.memory_space<vmem>>
      %dma_wait3A_96 = tpu.memref_squeeze %dma_wait3A_95 : memref<1x26xi32, #tpu.memory_space<vmem>> -> memref<26xi32, #tpu.memory_space<vmem>>
      %dma_wait3A_97 = arith.constant 0 : i32
      %dma_wait3A_98 = arith.constant 0 : i32
      %dma_wait3A_99 = tpu.memref_slice %arg3[%dma_wait3A_97, %dma_wait3A_98] : memref<2600000x16xf32, #tpu.memory_space<hbm>> -> memref<2600000x16xf32, #tpu.memory_space<hbm>>
      %dma_wait3A_100 = tpu.memref_slice %arg7[%dma_wait3A_89] : memref<2x!tpu.dma_semaphore, #tpu.memory_space<semaphore_mem>> -> memref<1x!tpu.dma_semaphore, #tpu.memory_space<semaphore_mem>>
      %dma_wait3A_101 = tpu.memref_squeeze %dma_wait3A_100 : memref<1x!tpu.dma_semaphore, #tpu.memory_space<semaphore_mem>> -> memref<!tpu.dma_semaphore, #tpu.memory_space<semaphore_mem>>
      tpu.wait_indirect_dma semaphore(%dma_wait3A_101 : memref<!tpu.dma_semaphore, #tpu.memory_space<semaphore_mem>>) src(%dma_wait3A_99 : memref<2600000x16xf32, #tpu.memory_space<hbm>>) dst(%dma_wait3A_93 : memref<26x16xf32, #tpu.memory_space<vmem>>)
      %scan3A_102 = arith.constant 0 : i32
      scf.yield %scan3A_102 : i32
    }
    %scan3A_33 = arith.constant 128 : i32
    %scan3A_34 = arith.constant 0 : i32
    %scan3A_35 = arith.constant 0 : i32
    %scan3A_36 = arith.constant 4 : i32
    %scan3A_37 = arith.addi %scan3A_35, %scan3A_36 : i32
    %scan3A_38 = arith.constant 1 : i32
    %scan3A_39 = scf.for %scan3A_84 = %scan3A_35 to %scan3A_37 step %scan3A_38 iter_args(%scan3A_85 = %scan3A_34) -> (i32)  : i32 {
      %rem3A = arith.constant 2 : i32
      %rem3A_86 = arith.remsi %scan3A_84, %rem3A : i32
      %mul3A_87 = arith.constant 128 : i32
      %mul3A_88 = arith.muli %scan3A_84, %mul3A_87 : i32
      %add3A_89 = arith.addi %mul3A_2, %mul3A_88 : i32
      %dma_start3A = arith.constant 0 : i32
      %dma_start3A_90 = arith.constant 0 : i32
      %dma_start3A_91 = arith.constant 0 : i32
      %dma_start3A_92 = tpu.memref_slice %arg6[%rem3A_86, %dma_start3A, %dma_start3A_90, %dma_start3A_91] : memref<2x128x26x16xf32, #tpu.memory_space<vmem>> -> memref<1x128x26x16xf32, #tpu.memory_space<vmem>>
      %dma_start3A_93 = tpu.memref_squeeze %dma_start3A_92 : memref<1x128x26x16xf32, #tpu.memory_space<vmem>> -> memref<128x26x16xf32, #tpu.memory_space<vmem>>
      %dma_start3A_94 = arith.constant 0 : i32
      %dma_start3A_95 = arith.constant 0 : i32
      %dma_start3A_96 = tpu.memref_slice %arg4[%add3A_89, %dma_start3A_94, %dma_start3A_95] : memref<16384x26x16xf32, #tpu.memory_space<hbm>> -> memref<128x26x16xf32, #tpu.memory_space<hbm>>
      %dma_start3A_97 = tpu.memref_slice %arg8[%rem3A_86] : memref<2x!tpu.dma_semaphore, #tpu.memory_space<semaphore_mem>> -> memref<1x!tpu.dma_semaphore, #tpu.memory_space<semaphore_mem>>
      %dma_start3A_98 = tpu.memref_squeeze %dma_start3A_97 : memref<1x!tpu.dma_semaphore, #tpu.memory_space<semaphore_mem>> -> memref<!tpu.dma_semaphore, #tpu.memory_space<semaphore_mem>>
      %dma_start3A_99 = arith.constant 0 : i32
      %dma_start3A_100 = arith.constant 0 : i32
      %dma_start3A_101 = tpu.memref_slice %arg4[%add3A_89, %dma_start3A_99, %dma_start3A_100] : memref<16384x26x16xf32, #tpu.memory_space<hbm>> -> memref<128x26x16xf32, #tpu.memory_space<hbm>>
      %dma_start3A_102 = arith.constant 0 : i32
      %dma_start3A_103 = arith.constant 0 : i32
      %dma_start3A_104 = arith.constant 0 : i32
      %dma_start3A_105 = tpu.memref_slice %arg6[%rem3A_86, %dma_start3A_102, %dma_start3A_103, %dma_start3A_104] : memref<2x128x26x16xf32, #tpu.memory_space<vmem>> -> memref<1x128x26x16xf32, #tpu.memory_space<vmem>>
      %dma_start3A_106 = tpu.memref_squeeze %dma_start3A_105 : memref<1x128x26x16xf32, #tpu.memory_space<vmem>> -> memref<128x26x16xf32, #tpu.memory_space<vmem>>
      tpu.enqueue_dma source(%dma_start3A_106 : memref<128x26x16xf32, #tpu.memory_space<vmem>>) target(%dma_start3A_101 : memref<128x26x16xf32, #tpu.memory_space<hbm>>) target_semaphore(%dma_start3A_98 : memref<!tpu.dma_semaphore, #tpu.memory_space<semaphore_mem>>)
      %add3A_107 = arith.constant 1 : i32
      %add3A_108 = arith.addi %scan3A_84, %add3A_107 : i32
      %lt3A = arith.constant 4 : i32
      %lt3A_109 = arith.cmpi slt, %add3A_108, %lt3A : i32
      %convert_element_type3A = arith.extui %lt3A_109 : i1 to i32
      %cond3A = arith.constant 0 : i32
      %cond3A_110 = arith.cmpi ne, %convert_element_type3A, %cond3A : i32
      scf.if %cond3A_110 {
        %rem3A_112 = arith.constant 2 : i32
        %rem3A_113 = arith.remsi %add3A_108, %rem3A_112 : i32
        %ge3A_114 = arith.constant 2 : i32
        %ge3A_115 = arith.cmpi sge, %add3A_108, %ge3A_114 : i32
        %convert_element_type3A_116 = arith.extui %ge3A_115 : i1 to i32
        %cond3A_117 = arith.constant 0 : i32
        %cond3A_118 = arith.cmpi ne, %convert_element_type3A_116, %cond3A_117 : i32
        scf.if %cond3A_118 {
          %sub3A = arith.constant 2 : i32
          %sub3A_133 = arith.subi %add3A_108, %sub3A : i32
          %mul3A_134 = arith.constant 128 : i32
          %mul3A_135 = arith.muli %sub3A_133, %mul3A_134 : i32
          %add3A_136 = arith.addi %mul3A_2, %mul3A_135 : i32
          %dma_wait3A_137 = arith.constant 0 : i32
          %dma_wait3A_138 = arith.constant 0 : i32
          %dma_wait3A_139 = arith.constant 0 : i32
          %dma_wait3A_140 = tpu.memref_slice %arg6[%rem3A_113, %dma_wait3A_137, %dma_wait3A_138, %dma_wait3A_139] : memref<2x128x26x16xf32, #tpu.memory_space<vmem>> -> memref<1x128x26x16xf32, #tpu.memory_space<vmem>>
          %dma_wait3A_141 = tpu.memref_squeeze %dma_wait3A_140 : memref<1x128x26x16xf32, #tpu.memory_space<vmem>> -> memref<128x26x16xf32, #tpu.memory_space<vmem>>
          %dma_wait3A_142 = arith.constant 0 : i32
          %dma_wait3A_143 = arith.constant 0 : i32
          %dma_wait3A_144 = tpu.memref_slice %arg4[%add3A_136, %dma_wait3A_142, %dma_wait3A_143] : memref<16384x26x16xf32, #tpu.memory_space<hbm>> -> memref<128x26x16xf32, #tpu.memory_space<hbm>>
          %dma_wait3A_145 = tpu.memref_slice %arg8[%rem3A_113] : memref<2x!tpu.dma_semaphore, #tpu.memory_space<semaphore_mem>> -> memref<1x!tpu.dma_semaphore, #tpu.memory_space<semaphore_mem>>
          %dma_wait3A_146 = tpu.memref_squeeze %dma_wait3A_145 : memref<1x!tpu.dma_semaphore, #tpu.memory_space<semaphore_mem>> -> memref<!tpu.dma_semaphore, #tpu.memory_space<semaphore_mem>>
          %dma_wait3A_147 = arith.constant 0 : i32
          %dma_wait3A_148 = arith.constant 0 : i32
          %dma_wait3A_149 = tpu.memref_slice %arg4[%add3A_136, %dma_wait3A_147, %dma_wait3A_148] : memref<16384x26x16xf32, #tpu.memory_space<hbm>> -> memref<128x26x16xf32, #tpu.memory_space<hbm>>
          %dma_wait3A_150 = arith.constant 0 : i32
          %dma_wait3A_151 = arith.constant 0 : i32
          %dma_wait3A_152 = arith.constant 0 : i32
          %dma_wait3A_153 = tpu.memref_slice %arg6[%rem3A_113, %dma_wait3A_150, %dma_wait3A_151, %dma_wait3A_152] : memref<2x128x26x16xf32, #tpu.memory_space<vmem>> -> memref<1x128x26x16xf32, #tpu.memory_space<vmem>>
          %dma_wait3A_154 = tpu.memref_squeeze %dma_wait3A_153 : memref<1x128x26x16xf32, #tpu.memory_space<vmem>> -> memref<128x26x16xf32, #tpu.memory_space<vmem>>
          tpu.wait_dma2 semaphore(%dma_wait3A_146 : memref<!tpu.dma_semaphore, #tpu.memory_space<semaphore_mem>>) src(%dma_wait3A_154 : memref<128x26x16xf32, #tpu.memory_space<vmem>>) dst(%dma_wait3A_149 : memref<128x26x16xf32, #tpu.memory_space<hbm>>)
        } else {
        }
        %scan3A_119 = arith.constant 0 : i32
        %scan3A_120 = arith.constant 0 : i32
        %scan3A_121 = arith.constant 128 : i32
        %scan3A_122 = arith.addi %scan3A_120, %scan3A_121 : i32
        %scan3A_123 = arith.constant 1 : i32
        %scan3A_124 = scf.for %scan3A_133 = %scan3A_120 to %scan3A_122 step %scan3A_123 iter_args(%scan3A_134 = %scan3A_119) -> (i32)  : i32 {
          %mul3A_135 = arith.constant 128 : i32
          %mul3A_136 = arith.muli %add3A_108, %mul3A_135 : i32
          %add3A_137 = arith.addi %mul3A_136, %scan3A_133 : i32
          %dma_start3A_138 = arith.constant 0 : i32
          %dma_start3A_139 = arith.constant 0 : i32
          %dma_start3A_140 = tpu.memref_slice %arg6[%rem3A_113, %scan3A_133, %dma_start3A_138, %dma_start3A_139] : memref<2x128x26x16xf32, #tpu.memory_space<vmem>> -> memref<1x1x26x16xf32, #tpu.memory_space<vmem>>
          %dma_start3A_141 = tpu.memref_squeeze %dma_start3A_140 : memref<1x1x26x16xf32, #tpu.memory_space<vmem>> -> memref<26x16xf32, #tpu.memory_space<vmem>>
          %dma_start3A_142 = arith.constant 0 : i32
          %dma_start3A_143 = tpu.memref_slice %arg5[%add3A_137, %dma_start3A_142] : memref<512x26xi32, #tpu.memory_space<vmem>> -> memref<1x26xi32, #tpu.memory_space<vmem>>
          %dma_start3A_144 = tpu.memref_squeeze %dma_start3A_143 : memref<1x26xi32, #tpu.memory_space<vmem>> -> memref<26xi32, #tpu.memory_space<vmem>>
          %dma_start3A_145 = arith.constant 0 : i32
          %dma_start3A_146 = arith.constant 0 : i32
          %dma_start3A_147 = tpu.memref_slice %arg3[%dma_start3A_145, %dma_start3A_146] : memref<2600000x16xf32, #tpu.memory_space<hbm>> -> memref<2600000x16xf32, #tpu.memory_space<hbm>>
          %dma_start3A_148 = tpu.memref_slice %arg7[%rem3A_113] : memref<2x!tpu.dma_semaphore, #tpu.memory_space<semaphore_mem>> -> memref<1x!tpu.dma_semaphore, #tpu.memory_space<semaphore_mem>>
          %dma_start3A_149 = tpu.memref_squeeze %dma_start3A_148 : memref<1x!tpu.dma_semaphore, #tpu.memory_space<semaphore_mem>> -> memref<!tpu.dma_semaphore, #tpu.memory_space<semaphore_mem>>
          tpu.enqueue_indirect_dma source(%dma_start3A_147 : memref<2600000x16xf32, #tpu.memory_space<hbm>>) target(%dma_start3A_141 : memref<26x16xf32, #tpu.memory_space<vmem>>) offsets(%dma_start3A_144 : memref<26xi32, #tpu.memory_space<vmem>>) semaphore(%dma_start3A_149 : memref<!tpu.dma_semaphore, #tpu.memory_space<semaphore_mem>>)
          %scan3A_150 = arith.constant 0 : i32
          scf.yield %scan3A_150 : i32
        }
        %scan3A_125 = arith.constant 128 : i32
        %scan3A_126 = arith.constant 0 : i32
        %scan3A_127 = arith.constant 0 : i32
        %scan3A_128 = arith.constant 128 : i32
        %scan3A_129 = arith.addi %scan3A_127, %scan3A_128 : i32
        %scan3A_130 = arith.constant 1 : i32
        %scan3A_131 = scf.for %scan3A_133 = %scan3A_127 to %scan3A_129 step %scan3A_130 iter_args(%scan3A_134 = %scan3A_126) -> (i32)  : i32 {
          %mul3A_135 = arith.constant 128 : i32
          %mul3A_136 = arith.muli %add3A_108, %mul3A_135 : i32
          %add3A_137 = arith.addi %mul3A_136, %scan3A_133 : i32
          %dma_wait3A_138 = arith.constant 0 : i32
          %dma_wait3A_139 = arith.constant 0 : i32
          %dma_wait3A_140 = tpu.memref_slice %arg6[%rem3A_113, %scan3A_133, %dma_wait3A_138, %dma_wait3A_139] : memref<2x128x26x16xf32, #tpu.memory_space<vmem>> -> memref<1x1x26x16xf32, #tpu.memory_space<vmem>>
          %dma_wait3A_141 = tpu.memref_squeeze %dma_wait3A_140 : memref<1x1x26x16xf32, #tpu.memory_space<vmem>> -> memref<26x16xf32, #tpu.memory_space<vmem>>
          %dma_wait3A_142 = arith.constant 0 : i32
          %dma_wait3A_143 = tpu.memref_slice %arg5[%add3A_137, %dma_wait3A_142] : memref<512x26xi32, #tpu.memory_space<vmem>> -> memref<1x26xi32, #tpu.memory_space<vmem>>
          %dma_wait3A_144 = tpu.memref_squeeze %dma_wait3A_143 : memref<1x26xi32, #tpu.memory_space<vmem>> -> memref<26xi32, #tpu.memory_space<vmem>>
          %dma_wait3A_145 = arith.constant 0 : i32
          %dma_wait3A_146 = arith.constant 0 : i32
          %dma_wait3A_147 = tpu.memref_slice %arg3[%dma_wait3A_145, %dma_wait3A_146] : memref<2600000x16xf32, #tpu.memory_space<hbm>> -> memref<2600000x16xf32, #tpu.memory_space<hbm>>
          %dma_wait3A_148 = tpu.memref_slice %arg7[%rem3A_113] : memref<2x!tpu.dma_semaphore, #tpu.memory_space<semaphore_mem>> -> memref<1x!tpu.dma_semaphore, #tpu.memory_space<semaphore_mem>>
          %dma_wait3A_149 = tpu.memref_squeeze %dma_wait3A_148 : memref<1x!tpu.dma_semaphore, #tpu.memory_space<semaphore_mem>> -> memref<!tpu.dma_semaphore, #tpu.memory_space<semaphore_mem>>
          tpu.wait_indirect_dma semaphore(%dma_wait3A_149 : memref<!tpu.dma_semaphore, #tpu.memory_space<semaphore_mem>>) src(%dma_wait3A_147 : memref<2600000x16xf32, #tpu.memory_space<hbm>>) dst(%dma_wait3A_141 : memref<26x16xf32, #tpu.memory_space<vmem>>)
          %scan3A_150 = arith.constant 0 : i32
          scf.yield %scan3A_150 : i32
        }
        %scan3A_132 = arith.constant 128 : i32
      } else {
      }
      %scan3A_111 = arith.constant 0 : i32
      scf.yield %scan3A_111 : i32
    }
    %scan3A_40 = arith.constant 4 : i32
    %add3A_41 = arith.constant 256 : i32
    %add3A_42 = arith.addi %mul3A_2, %add3A_41 : i32
    %dma_wait3A = arith.constant 0 : i32
    %dma_wait3A_43 = arith.constant 0 : i32
    %dma_wait3A_44 = arith.constant 0 : i32
    %dma_wait3A_45 = arith.constant 0 : i32
    %dma_wait3A_46 = arith.constant 0 : i32
    %dma_wait3A_47 = tpu.memref_slice %arg6[%dma_wait3A, %dma_wait3A_44, %dma_wait3A_45, %dma_wait3A_46] : memref<2x128x26x16xf32, #tpu.memory_space<vmem>> -> memref<1x128x26x16xf32, #tpu.memory_space<vmem>>
    %dma_wait3A_48 = tpu.memref_squeeze %dma_wait3A_47 : memref<1x128x26x16xf32, #tpu.memory_space<vmem>> -> memref<128x26x16xf32, #tpu.memory_space<vmem>>
    %dma_wait3A_49 = arith.constant 0 : i32
    %dma_wait3A_50 = arith.constant 0 : i32
    %dma_wait3A_51 = tpu.memref_slice %arg4[%add3A_42, %dma_wait3A_49, %dma_wait3A_50] : memref<16384x26x16xf32, #tpu.memory_space<hbm>> -> memref<128x26x16xf32, #tpu.memory_space<hbm>>
    %dma_wait3A_52 = tpu.memref_slice %arg8[%dma_wait3A_43] : memref<2x!tpu.dma_semaphore, #tpu.memory_space<semaphore_mem>> -> memref<1x!tpu.dma_semaphore, #tpu.memory_space<semaphore_mem>>
    %dma_wait3A_53 = tpu.memref_squeeze %dma_wait3A_52 : memref<1x!tpu.dma_semaphore, #tpu.memory_space<semaphore_mem>> -> memref<!tpu.dma_semaphore, #tpu.memory_space<semaphore_mem>>
    %dma_wait3A_54 = arith.constant 0 : i32
    %dma_wait3A_55 = arith.constant 0 : i32
    %dma_wait3A_56 = tpu.memref_slice %arg4[%add3A_42, %dma_wait3A_54, %dma_wait3A_55] : memref<16384x26x16xf32, #tpu.memory_space<hbm>> -> memref<128x26x16xf32, #tpu.memory_space<hbm>>
    %dma_wait3A_57 = arith.constant 0 : i32
    %dma_wait3A_58 = arith.constant 0 : i32
    %dma_wait3A_59 = arith.constant 0 : i32
    %dma_wait3A_60 = tpu.memref_slice %arg6[%dma_wait3A, %dma_wait3A_57, %dma_wait3A_58, %dma_wait3A_59] : memref<2x128x26x16xf32, #tpu.memory_space<vmem>> -> memref<1x128x26x16xf32, #tpu.memory_space<vmem>>
    %dma_wait3A_61 = tpu.memref_squeeze %dma_wait3A_60 : memref<1x128x26x16xf32, #tpu.memory_space<vmem>> -> memref<128x26x16xf32, #tpu.memory_space<vmem>>
    tpu.wait_dma2 semaphore(%dma_wait3A_53 : memref<!tpu.dma_semaphore, #tpu.memory_space<semaphore_mem>>) src(%dma_wait3A_61 : memref<128x26x16xf32, #tpu.memory_space<vmem>>) dst(%dma_wait3A_56 : memref<128x26x16xf32, #tpu.memory_space<hbm>>)
    %add3A_62 = arith.constant 384 : i32
    %add3A_63 = arith.addi %mul3A_2, %add3A_62 : i32
    %dma_wait3A_64 = arith.constant 1 : i32
    %dma_wait3A_65 = arith.constant 1 : i32
    %dma_wait3A_66 = arith.constant 0 : i32
    %dma_wait3A_67 = arith.constant 0 : i32
    %dma_wait3A_68 = arith.constant 0 : i32
    %dma_wait3A_69 = tpu.memref_slice %arg6[%dma_wait3A_64, %dma_wait3A_66, %dma_wait3A_67, %dma_wait3A_68] : memref<2x128x26x16xf32, #tpu.memory_space<vmem>> -> memref<1x128x26x16xf32, #tpu.memory_space<vmem>>
    %dma_wait3A_70 = tpu.memref_squeeze %dma_wait3A_69 : memref<1x128x26x16xf32, #tpu.memory_space<vmem>> -> memref<128x26x16xf32, #tpu.memory_space<vmem>>
    %dma_wait3A_71 = arith.constant 0 : i32
    %dma_wait3A_72 = arith.constant 0 : i32
    %dma_wait3A_73 = tpu.memref_slice %arg4[%add3A_63, %dma_wait3A_71, %dma_wait3A_72] : memref<16384x26x16xf32, #tpu.memory_space<hbm>> -> memref<128x26x16xf32, #tpu.memory_space<hbm>>
    %dma_wait3A_74 = tpu.memref_slice %arg8[%dma_wait3A_65] : memref<2x!tpu.dma_semaphore, #tpu.memory_space<semaphore_mem>> -> memref<1x!tpu.dma_semaphore, #tpu.memory_space<semaphore_mem>>
    %dma_wait3A_75 = tpu.memref_squeeze %dma_wait3A_74 : memref<1x!tpu.dma_semaphore, #tpu.memory_space<semaphore_mem>> -> memref<!tpu.dma_semaphore, #tpu.memory_space<semaphore_mem>>
    %dma_wait3A_76 = arith.constant 0 : i32
    %dma_wait3A_77 = arith.constant 0 : i32
    %dma_wait3A_78 = tpu.memref_slice %arg4[%add3A_63, %dma_wait3A_76, %dma_wait3A_77] : memref<16384x26x16xf32, #tpu.memory_space<hbm>> -> memref<128x26x16xf32, #tpu.memory_space<hbm>>
    %dma_wait3A_79 = arith.constant 0 : i32
    %dma_wait3A_80 = arith.constant 0 : i32
    %dma_wait3A_81 = arith.constant 0 : i32
    %dma_wait3A_82 = tpu.memref_slice %arg6[%dma_wait3A_64, %dma_wait3A_79, %dma_wait3A_80, %dma_wait3A_81] : memref<2x128x26x16xf32, #tpu.memory_space<vmem>> -> memref<1x128x26x16xf32, #tpu.memory_space<vmem>>
    %dma_wait3A_83 = tpu.memref_squeeze %dma_wait3A_82 : memref<1x128x26x16xf32, #tpu.memory_space<vmem>> -> memref<128x26x16xf32, #tpu.memory_space<vmem>>
    tpu.wait_dma2 semaphore(%dma_wait3A_75 : memref<!tpu.dma_semaphore, #tpu.memory_space<semaphore_mem>>) src(%dma_wait3A_83 : memref<128x26x16xf32, #tpu.memory_space<vmem>>) dst(%dma_wait3A_78 : memref<128x26x16xf32, #tpu.memory_space<hbm>>)
    return
  }
}

</mosaic_0001>

<sc_bundles>
// kernel: kernel.3.cloned.1.call-start
scs
__scs_entry_jumppad:
0x0: {  	(pc) =	sbr.rel $0x88, $3  }
0x1: {  	(tag) =	ssettag $0x0;
	lr =	simm.s32 $0x1  }
0x2: {  	[smem:$0x3F9F] =	sst lr;
	_ =	strace $0xD0000000  }
0x3: {  	_ = 	snop  }
0x4: {  	_ = 	snop  }
0x5: {  	_ = 	snop  }
0x6: {  	_ = 	snop  }
0x7: {  	_ = 	snop  }
__scs_overlays_trampoline_lowered:
0x8: {  	[smem:$0x3FAE] =	sst s0  }
0x9: {  	[smem:$0x3FAF] =	sst s1  }
0xa: {  	[smem:$0x3FB0] =	sst s2  }
0xb: {  	[smem:$0x3FB1] =	sst s3  }
0xc: {  	[smem:$0x3FB2] =	sst s4  }
0xd: {  	[smem:$0x3FB3] =	sst s5  }
0xe: {  	[smem:$0x3FB4] =	sst s6  }
0xf: {  	[smem:$0x3FB5] =	sst s7  }
0x10: {  	[smem:$0x3FB6] =	sst s8  }
0x11: {  	[smem:$0x3FB7] =	sst s9;
	s0 =	simm.s32 @!p0 $0x0  }
0x12: {  	s1 =	sld [smem:$0x3F9D];
	s0 =	simm.s32 @p0 $0x1  }
0x13: {  	[smem:$0x3FB8] =	sst s0;
	s0 =	simm.s32 @!p1 $0x0  }
0x14: {  	s2 =	sld [smem:$0x3F9C];
	s0 =	simm.s32 @p1 $0x1  }
0x15: {  	[smem:$0x3FB9] =	sst s0;
	s0 =	simm.s32 @!p2 $0x0  }
0x16: {  	s3 =	sld [smem:$0x3FDB];
	s0 =	simm.s32 @p2 $0x1  }
0x17: {  	s4 =	simm.s32 $0x1BF5;
	[smem:$0x3FBB] =	sst s0  }
0x18: {  	s0 =	sld [smem:$0x3F9E];
	_ =	swait.ge [sflag:s4], $0x0  }
0x19: {  	s7 =	sld [smem:$0x3F9F]  }
0x1a: {  	s8 =	sadd.s32 $0xFFFFE003, lr  }
0x1b: {  	s9 =	sadd.s32 $0xFFFFFEF7, lr;
	s5 =	simm.s32 $0xFFFFFFFF;
	p2 =	slt.u32 s8, $0xFFFFF086  }
0x1c: {  	p1 =	slt.u32 s9, $0xF7A;
	s5 =	simm.s32 @!p2 $0x0  }
0x1d: {  	s5 =	simm.s32 @p1 $0x1;
	p0 =	seq.s32 s7, s2  }
0x1e: {  	s7 =	smul.u32 @!p0 $0xF7A, s2;
	p2 =	seq.s32 @!p0 s5, $0x0  }
0x1f: {  	s9 =	smul.u32 $0xF7A, s1;
	s8 =	simm.s32 @!p0 $0x1BF5;
	p2 =	por !p2, p0  }
0x20: {  	[sflag:s8] =	ssyncset.s32 @!p0 $0xFFFFF086;
	s6 =	sadd.s32 @!p0 s3, s7;
	s7 =	simm.s32 @!p0 $0x108  }
0x21: {  	s3 =	sadd.s32 s3, s9;
	s6 =	sadd.s32 @!p0 $0x88, s6;
	s7 =	simm.s32 @p2 $0x1082  }
0x22: {  	[simem:s7], [sflag:s8] =	dma.local @!p0 [hbm:s6], $0xF7A  }
0x23: {  	s9 =	sor.u32 $0xD0000000, s2;
	s6 =	simm.s32 $0x108;
	_ =	swait.ge @!p0 [sflag:s8], $0x0  }
0x24: {  	s3 =	sadd.s32 $0x88, s3;
	s6 =	simm.s32 @!p1 $0x1082;
	[sflag:s4] =	ssyncset.s32 $0xFFFFF086  }
0x25: {  	[simem:s6], [sflag:s4] =	dma.local [hbm:s3], $0xF7A  }
0x26: {  	[smem:$0x3F9F] =	sst s1;
	(tag) =	ssettag s2;
	_ =	strace s9  }
0x27: {  	s1 =	sld [smem:$0x3FAF]  }
0x28: {  	s2 =	sld [smem:$0x3FB0]  }
0x29: {  	s4 =	sld [smem:$0x3FB2]  }
0x2a: {  	p0 =	seq.s32 s5, $0x0;
	s5 =	sld [smem:$0x3FB3]  }
0x2b: {  	s6 =	sld [smem:$0x3FB4]  }
0x2c: {  	s7 =	sld [smem:$0x3FB5]  }
0x2d: {  	s3 =	simm.s32 $0x108;
	s8 =	sld [smem:$0x3FB6]  }
0x2e: {  	s3 =	simm.s32 @!p0 $0x1082;
	s9 =	sld [smem:$0x3FB7]  }
0x2f: {  	lr =	sadd.s32 s0, s3;
	s0 =	sld [smem:$0x3FAE]  }
0x30: {  	s3 =	sld [smem:$0x3FB1]  }
0x31: {  	[smem:$0x3FBA] =	sst s10  }
0x32: {  	s10 =	sld [smem:$0x3FB8];
	_ =	sdelay $0x3  }
0x33: {  	p0 =	seq.s32 s10, $0x1;
	s10 =	sld [smem:$0x3FBA];
	_ =	sdelay $0x3  }
0x34: {  	[smem:$0x3FBA] =	sst s10  }
0x35: {  	s10 =	sld [smem:$0x3FB9];
	_ =	sdelay $0x3  }
0x36: {  	p1 =	seq.s32 s10, $0x1;
	s10 =	sld [smem:$0x3FBA];
	_ =	sdelay $0x3  }
0x37: {  	[smem:$0x3FBA] =	sst s10  }
0x38: {  	s10 =	sld [smem:$0x3FBB]  }
0x39: {  	_ = 	snop;
	(pc) =	sbr.ind lr, $3  }
0x3a: {  	_ = 	snop  }
0x3b: {  	_ = 	snop  }
0x3c: {  	p2 =	seq.s32 s10, $0x1;
	s10 =	sld [smem:$0x3FBA]  }
0x3d: {  	_ =	shalt  }
0x3e: {  	_ =	shalt  }
0x3f: {  	_ =	shalt  }
0x40: {  	_ =	shalt  }
0x41: {  	_ =	shalt  }
0x42: {  	_ =	shalt  }
0x43: {  	_ =	shalt  }
0x44: {  	_ =	shalt  }
0x45: {  	_ =	shalt  }
0x46: {  	_ =	shalt  }
0x47: {  	_ =	shalt  }
0x48: {  	_ =	shalt  }
0x49: {  	_ =	shalt  }
0x4a: {  	_ =	shalt  }
0x4b: {  	_ =	shalt  }
0x4c: {  	_ =	shalt  }
0x4d: {  	_ =	shalt  }
0x4e: {  	_ =	shalt  }
0x4f: {  	_ =	shalt  }
0x50: {  	_ =	shalt  }
0x51: {  	_ =	shalt  }
0x52: {  	_ =	shalt  }
0x53: {  	_ =	shalt  }
0x54: {  	_ =	shalt  }
0x55: {  	_ =	shalt  }
0x56: {  	_ =	shalt  }
0x57: {  	_ =	shalt  }
0x58: {  	_ =	shalt  }
0x59: {  	_ =	shalt  }
0x5a: {  	_ =	shalt  }
0x5b: {  	_ =	shalt  }
0x5c: {  	_ =	shalt  }
0x5d: {  	_ =	shalt  }
0x5e: {  	_ =	shalt  }
0x5f: {  	_ =	shalt  }
0x60: {  	_ =	shalt  }
0x61: {  	_ =	shalt  }
0x62: {  	_ =	shalt  }
0x63: {  	_ =	shalt  }
0x64: {  	_ =	shalt  }
0x65: {  	_ =	shalt  }
0x66: {  	_ =	shalt  }
0x67: {  	_ =	shalt  }
0x68: {  	_ =	shalt  }
0x69: {  	_ =	shalt  }
0x6a: {  	_ =	shalt  }
0x6b: {  	_ =	shalt  }
0x6c: {  	_ =	shalt  }
0x6d: {  	_ =	shalt  }
0x6e: {  	_ =	shalt  }
0x6f: {  	_ =	shalt  }
0x70: {  	_ =	shalt  }
0x71: {  	_ =	shalt  }
0x72: {  	_ =	shalt  }
0x73: {  	_ =	shalt  }
0x74: {  	_ =	shalt  }
0x75: {  	_ =	shalt  }
0x76: {  	_ =	shalt  }
0x77: {  	_ =	shalt  }
0x78: {  	_ =	shalt  }
0x79: {  	_ =	shalt  }
0x7a: {  	_ =	shalt  }
0x7b: {  	_ =	shalt  }
0x7c: {  	_ =	shalt  }
0x7d: {  	_ =	shalt  }
0x7e: {  	_ =	shalt  }
0x7f: {  	_ =	shalt  }
0x80: {  	_ =	shalt  }
0x81: {  	_ =	shalt  }
0x82: {  	_ =	shalt  }
0x83: {  	_ =	shalt  }
0x84: {  	_ =	shalt  }
0x85: {  	_ =	shalt  }
0x86: {  	_ =	shalt  }
0x87: {  	_ =	shalt  }
.Lfunc_end0:
.L_simem_size_0:
called_computation_lowered:
.L_overlay_start_0:
0x88: {  	s2 =	sld [smem:$0x3FD9]  }
0x89: {  	s3 =	sld [smem:$0x3FFE];
	_ =	sdelay $0x1  }
0x8a: {  	s1 =	srdreg.scid  }
0x8b: {  	s0 =	sand.u32 $0x1, s1  }
0x8c: {  	s17 =	sshll.u32 s0, $0xA;
	s2 =	sadd.s32 s3, s2  }
0x8d: {  	s2 =	sadd.s32 s2, s17  }
0x8e: {  	[smem:$0x3FC6] =	sst s2  }
0x8f: {  	_ = 	snop  }
0x90: {  	s2 =	sld [smem:$0x3FD0];
	(tm) =	ssettm $0x1  }
0x91: {  	s18 =	sld [smem:$0x3FFB];
	_ =	sdelay $0x3  }
0x92: {  	_ =	strace s18  }
0x93: {  	s3 =	sld [smem:$0x3FFC];
	_ =	sdelay $0x3  }
0x94: {  	_ =	strace s3  }
0x95: {  	s3 =	sld [smem:$0x3FFD];
	_ =	sdelay $0x3  }
0x96: {  	_ =	strace s3  }
0x97: {  	_ =	strace $0x8FFFFFFF  }
0x98: {  	s19 =	sld [smem:$0x3FDB];
	_ =	sdelay $0x1  }
0x99: {  	s4 =	simm.s32 $_scs_section_size  }
0x9a: {  	s5 =	simm.s32 $_size__tile_overlayer_lowered;
	s6 =	simm.s32 $_tile_overlayer_lowered  }
0x9b: {  	s22 =	simm.s32 $0x1BFF;
	s21 =	sshll.u32 s6, $0x1;
	s3 =	sadd.s32 s4, s19  }
0x9c: {  	s7 =	simm.s32 $0x0;
	s20 =	sshll.u32 s5, $0x1;
	s5 =	sadd.s32 s21, s3  }
0x9d: {  	[timem:s7], [sflag:s22] =	dma.local [hbm:s5], s20  }
0x9e: {  	_ =	swait.ge [sflag:s22], s20  }
0x9f: {  	s4 =	ssub.s32 $0x0, s20;
	[sflag:s22] =	ssyncset.done $0x0  }
0xa0: {  	[sflag:s22] =	ssyncadd.s32 s4;
	_ =	sdelay $0x1  }
0xa1: {  	s23 =	simm.s32 $0x1B8B  }
0xa2: {  	_ =	swait.ge [sflag:s23], $0x1  }
0xa3: {  	[sflag:s23] =	ssyncset.done $0x0  }
0xa4: {  	s25 =	simm.s32 $0x1B8E;
	s24 =	sld [smem:$0x3FFE];
	[sflag:s23] =	ssyncadd.s32 $0xFFFFFFFF  }
0xa5: {  	s26 =	simm.s32 $execute0_lowered;
	[smem:$0x3FD2] =	sst s25  }
0xa6: {  	s5 =	sshll.u32 s26, $0x1;
	_ =	strace $0x80000046;
	[dreg:$0x1] =	wrdreg $0xFFFFFFFF  }
0xa7: {  	s28 =	simm.s32 $_size_execute0_lowered;
	s3 =	sadd.s32 s3, s5;
	[dreg:$0x0] =	wrdreg $0x0  }
0xa8: {  	s5 =	sshll.u32 s28, $0x1;
	[dreg:$0x2] =	wrdreg s3  }
0xa9: {  	[dreg:$0x3] =	wrdreg s5  }
0xaa: {  	[dreg:$0x4] =	wrdreg $0xC0  }
0xab: {  	_ =	task [dreg:s7], $0x5FFFF  }
0xac: {  	[dreg:$0x1] =	wrdreg $0xFFFFFFFF  }
0xad: {  	[dreg:$0x0] =	wrdreg $0x60  }
0xae: {  	[dreg:$0x2] =	wrdreg s24  }
0xaf: {  	[dreg:$0x3] =	wrdreg s2  }
0xb0: {  	[dreg:$0x4] =	wrdreg $0x9  }
0xb1: {  	_ =	task.clear_ibuf [dreg:s7], $0x5FFFF;
	_ =	strace $0x90000046  }
0xb2: {  	s29 =	simm.s32 $0x9;
	_ =	strace $0x80000048  }
0xb3: {  	_ =	swait.ge [sflag:s29], $0x1  }
0xb4: {  	[sflag:s29] =	ssyncadd.s32 $0xFFFFFFFF  }
0xb5: {  	_ =	strace $0x90000048  }
0xb6: {  	_ =	sfence  }
0xb7: {  	s30 =	sld [smem:$0x0];
	_ =	sdelay $0x2  }
0xb8: {  	s31 =	sshll.u32 s1, $0xD;
	s1 =	sshrl.u32 s1, $0x2  }
0xb9: {  	s3 =	sand.u32 $0x4000, s31;
	s1 =	sadd.s32 s1, s30  }
0xba: {  	s0 =	sor.u32 s3, s0;
	s1 =	sshll.u32 s1, $0x11  }
0xbb: {  	s0 =	sor.u32 s1, s0  }
0xbc: {  	s0 =	sadd.s32 $0x8F2B, s0  }
0xbd: {  	[sflag:s0] =	ssyncadd.remote.s32 $0x1  }
0xbe: {  	_ =	sfence.sel $0xFFFF  }
0xbf: {  	[dreg:$0x0] =	wrdreg $0xFFFFFFFF;
	(pc) =	sbr.abs _section_cstart, $3  }
0xc0: {  	[dreg:$0x1] =	wrdreg $0xFFFFFFFF  }
0xc1: {  	_ =	task.clear_ibuf [dreg:s7], $0x2FFFF;
	_ =	strace $0x9FFFFFFF  }
0xc2: {  	(tm) =	ssettm $0x7FFFFFFF  }
0xc3: {  	_ =	shalt  }
tec
execute0_lowered:
.L_overlay_start_1:
0x0: {  	(tag) =	ssettag $0x1  }
0x1: {  	v0 =	vimm.s32 $0x2625A0;
	vm0 =	vcmask $0x1700  }
0x2: {  	s5 =	rddreg [dreg:$0x0];
	vm7 =	vcmask $0x1B18;
	v0 =	vsel vm0, $0x0, v0  }
0x3: {  	s1 =	rddreg [dreg:$0x1];
	s3 =	srdreg.scid;
	vm8 =	vcmask $0x1F1C;
	v0 =	vsel vm7, $0x186A00, v0  }
0x4: {  	s0 =	rddreg [dreg:$0x2];
	s2 =	stileid.u32;
	vm9 =	vcmask $0x2320;
	s9 =	simm.s32 $0x1A;
	v0 =	vsel vm8, $0x19F0A0, v0  }
0x5: {  	vm10 =	vcmask $0x2724;
	s10 =	simm.s32 $0x1;
	s11 =	simm.s32 $0x3;
	s12 =	simm.s32 $0x4;
	v0 =	vsel vm9, $0x1B7740, v0  }
0x6: {  	vm11 =	vcmask $0x2B28;
	s13 =	simm.s32 $0x0;
	s6 =	sand.u32 $0x1, s3;
	s3 =	simm.s32 $0x0;
	v0 =	vsel vm10, $0x1CFDE0, v0  }
.Ltmp0:
0x7: {  	vm12 =	vcmask $0x2F2C;
	s4 =	sshll.u32 s2, $0xA;
	s7 =	sshll.u32 s6, $0x9;
	v0 =	vsel vm11, $0x1E8480, v0;
	(pc) =	sbr.rel .LBB2_1-.Ltmp0, $4  }
0x8: {  	vm13 =	vcmask $0x3330;
	[smem:$0x7FF] =	sst s3;
	s6 =	ssub.s32 $0x2, s6;
	s4 =	sor.u32 s7, s4;
	v0 =	vsel vm12, $0x200B20, v0  }
0x9: {  	vm14 =	vcmask $0x3734;
	_ =	strace $0x80000047;
	s8 =	sshrl.u32 s6, $0x1;
	s7 =	sshll.u32 s4, $0x2;
	v0 =	vsel vm13, $0x2191C0, v0  }
0xa: {  	v1 =	vlaneseq.u32;
	vm15 =	vcmask $0x3B38;
	s8 =	ssub.s32 s6, s8;
	s7 =	sadd.s32 s7, s5;
	s5 =	sadd.s32 $0x27ACA00, s5;
	v2 =	vsel vm14, $0x231860, v0  }
0xb: {  	s6 =	sadd.s32 $0x600, s7;
	s7 =	smax.u32 s8, $0x1;
	s8 =	simm.s32 $0x5;
	v0 =	vmul.u32 $0x186A0, v1;
	v1 =	vsel vm15, $0x249F00, v2  }
.LBB2_14:
0xc: {  	s13 =	sadd.s32 $0x1, s13  }
0xd: {  	_ =	swait.ge [sflag:s11], $0xD000;
	p0 =	sne.s32 s13, s7  }
.Ltmp1:
0xe: {  	[sflag:s11] =	ssyncset.done $0x0;
	(pc) =	sbr.rel @!p0 .LBB2_15-.Ltmp1, $4  }
0xf: {  	[sflag:s11] =	ssyncadd.s32 $0xFFFF3000  }
0x10: {  	_ =	swait.ge [sflag:s12], $0xD000  }
0x11: {  	[sflag:s12] =	ssyncset.done $0x0  }
0x12: {  	[sflag:s12] =	ssyncadd.s32 $0xFFFF3000  }
.LBB2_1:
0x13: {  	[tilespmem:s3], [sflag:$0x5] =	stream.linear.gather [hbm4b:s6+s3], $0x4000, $0x38;
	[tilespmem:$0x1E000] =	vst v63  }
0x14: {  	_ =	swait.ge [sflag:s8], $0x4000  }
0x15: {  	[sflag:s8] =	ssyncset.done $0x0  }
0x16: {  	s14 =	simm.s32 $0x0;
	[sflag:s8] =	ssyncadd.s32 $0xFFFFC000  }
0x17: {  	v2 =	vld [tilespmem:s14+$0x0];
	_ =	sdelay $0x4  }
0x18: {  	v2 =	vadd.s32 v0, v2  }
0x19: {  	[tilespmem:s14+$0x0] =	vst v2  }
0x1a: {  	v2 =	vld [tilespmem:s14+$0xA];
	_ =	sdelay $0x4  }
0x1b: {  	s15 =	simm.s32 $0x80;
	s16 =	simm.s32 $0x100;
	v2 =	vadd.s32 v1, v2  }
.LBB2_2:
0x1c: {  	p0 =	sne.s32 s16, $0xFF80  }
0x1d: {  	[tilespmem:s14+$0xA] =	vst v2;
	s14 =	sshra.s32 s15, $0x2;
	s15 =	smov.u32 s16;
	s16 =	sadd.s32 $0x80, s16  }
0x1e: {  	v2 =	vld [tilespmem:s14+$0x0];
	_ =	sdelay $0x4  }
0x1f: {  	v2 =	vadd.s32 v0, v2  }
0x20: {  	[tilespmem:s14+$0x0] =	vst v2  }
0x21: {  	v2 =	vld [tilespmem:s14+$0xA]  }
.Ltmp2:
0x22: {  	(pc) =	sbr.rel @p0 .LBB2_2-.Ltmp2, $2  }
0x23: {  	_ =	sdelay $0x2  }
0x24: {  	v2 =	vadd.s32 v1, v2  }
0x25: {  	s15 =	sshra.s32 s15, $0x2;
	[tilespmem:s14+$0xA] =	vst v2  }
0x26: {  	v2 =	vld [tilespmem:s15+$0x0];
	_ =	sdelay $0x4  }
0x27: {  	v2 =	vadd.s32 v0, v2  }
0x28: {  	[tilespmem:s15+$0x0] =	vst v2  }
0x29: {  	v2 =	vld [tilespmem:s15+$0xA];
	_ =	sdelay $0x4  }
0x2a: {  	v2 =	vadd.s32 v1, v2  }
0x2b: {  	s14 =	simm.s32 $0x0;
	[tilespmem:s15+$0xA] =	vst v2;
	s15 =	simm.s32 $0x4000  }
.LBB2_4:
0x2c: {  	p0 =	sne.s32 s14, $0x3F80  }
.Ltmp3:
0x2d: {  	_ = 	snop;
	(pc) =	sbr.rel @p0 .LBB2_4-.Ltmp3, $4  }
0x2e: {  	_ = 	snop  }
0x2f: {  	s16 =	sshra.s32 s14, $0x2  }
0x30: {  	[tilespmem:s15], [sflag:$0x1] =	stream.indirect.gather [hbm4b:s5+s9], $0x10, s16, s9, $0xb8;
	[tilespmem:$0x1E000] =	vst v63  }
0x31: {  	s14 =	sadd.s32 $0x80, s14;
	s15 =	sadd.s32 $0x1A0, s15  }
0x32: {  	s14 =	simm.s32 $0x80  }
.LBB2_6:
0x33: {  	p0 =	sne.s32 s14, $0x1  }
.Ltmp4:
0x34: {  	_ = 	snop;
	(pc) =	sbr.rel @p0 .LBB2_6-.Ltmp4, $4  }
0x35: {  	_ = 	snop  }
0x36: {  	_ =	swait.ge [sflag:s10], $0x1A0  }
0x37: {  	[sflag:s10] =	ssyncset.done $0x0  }
0x38: {  	s14 =	sadd.s32 $0xFFFFFFFF, s14;
	[sflag:s10] =	ssyncadd.s32 $0xFFFFFE60  }
0x39: {  	s16 =	simm.s32 $0x0;
	s14 =	simm.s32 $0x1000;
	p0 =	por $0x1, $0x1  }
.LBB2_8:
0x3a: {  	s17 =	sand.u32 $0x1, s16  }
0x3b: {  	s15 =	sshll.u32 s16, $0x7;
	p1 =	seq.s32 s16, $0x3;
	s18 =	smul.u32 $0x34000, s17  }
.Ltmp5:
0x3c: {  	s15 =	sadd.s32 s4, s15;
	(pc) =	sbr.rel @p1 .LBB2_14-.Ltmp5, $4  }
0x3d: {  	s15 =	smul.u32 $0x34, s15  }
0x3e: {  	s18 =	sshrl.u32 s18, $0x2  }
0x3f: {  	s17 =	sadd.s32 $0x3, s17;
	s15 =	sadd.s32 s1, s15;
	s18 =	sadd.s32 $0x4000, s18  }
0x40: {  	[hbm4b:s15+s3] =	stream.linear.scatter [tilespmem:s18], [sflag:s17], $0xD000, $0x38;
	[tilespmem:$0x1E000] =	vst v63  }
0x41: {  	s17 =	simm.s32 $0x1  }
0x42: {  	s15 =	sadd.s32 $0x1, s16;
	s17 =	simm.s32 @!p0 $0x0  }
0x43: {  	p1 =	seq.s32 s16, $0x0;
	s18 =	sand.u32 $0x1, s15;
	s17 =	smul.u32 $0x34000, s17  }
0x44: {  	s16 =	sadd.s32 @!p1 $0x3, s18  }
0x45: {  	_ =	swait.ge @!p1 [sflag:s16], $0xD000;
	s17 =	sshrl.u32 s17, $0x2  }
0x46: {  	[sflag:s16] =	ssyncset.done @!p1 $0x0;
	s17 =	sadd.s32 $0x4000, s17  }
0x47: {  	[sflag:s16] =	ssyncadd.s32 @!p1 $0xFFFF3000;
	s16 =	sadd.s32 $0x1, s18;
	s18 =	simm.s32 $0x0  }
.LBB2_10:
0x48: {  	p1 =	sne.s32 s18, $0x3F80  }
.Ltmp6:
0x49: {  	_ = 	snop;
	(pc) =	sbr.rel @p1 .LBB2_10-.Ltmp6, $4  }
0x4a: {  	s19 =	sshra.s32 s18, $0x2  }
0x4b: {  	s19 =	sadd.s32 s19, s14  }
0x4c: {  	[tilespmem:s17], [sflag:s16] =	stream.indirect.gather [hbm4b:s5+s9], $0x10, s19, s9, $0xb8;
	[tilespmem:$0x1E000] =	vst v63  }
0x4d: {  	s18 =	sadd.s32 $0x80, s18;
	s17 =	sadd.s32 $0x1A0, s17  }
0x4e: {  	_ =	swait.ge [sflag:s16], $0x1A0  }
0x4f: {  	s17 =	simm.s32 $0x7F;
	[sflag:s16] =	ssyncset.done $0x0  }
.LBB2_12:
0x50: {  	p1 =	sne.s32 s17, $0x1;
	s17 =	sadd.s32 $0xFFFFFFFF, s17;
	[sflag:s16] =	ssyncadd.s32 $0xFFFFFE60  }
.Ltmp7:
0x51: {  	(pc) =	sbr.rel @p1 .LBB2_12-.Ltmp7, $3  }
0x52: {  	_ =	sdelay $0x1  }
0x53: {  	_ =	swait.ge [sflag:s16], $0x1A0  }
0x54: {  	[sflag:s16] =	ssyncset.done $0x0  }
0x55: {  	p1 =	sne.s32 s15, $0x4  }
.Ltmp8:
0x56: {  	_ = 	snop;
	(pc) =	sbr.rel @p1 .LBB2_8-.Ltmp8, $4  }
.Ltmp9:
0x57: {  	_ = 	snop;
	(pc) =	sbr.rel @!p1 .LBB2_14-.Ltmp9, $4  }
0x58: {  	_ = 	snop  }
0x59: {  	[sflag:s16] =	ssyncadd.s32 $0xFFFFFE60  }
0x5a: {  	s14 =	sadd.s32 $0x1000, s14;
	p0 =	por !p0, !p0;
	s16 =	smov.u32 s15  }
0x5b: {  	_ = 	snop  }
.LBB2_15:
0x5c: {  	_ =	sfence.sel $0x180000  }
0x5d: {  	[bflag:$0x0] =	sbarrier.arrive $0xFFFF  }
0x5e: {  	p0 =	sne.s32 s2, $0x0;
	_ =	strace $0x90000047  }
0x5f: {  	s0 =	sadd.s32 @!p0 $0x100000, s0;
	[bflag:$0x2] =	sbarrier.arrive $0xFFFF  }
0x60: {  	[sflag:s0] =	ssyncadd.tile.s32 @!p0 $0x1;
	_ =	shalt  }
.Lfunc_end2:
_tile_overlayer_lowered:
.L_overlay_start_2:
0x61: {  	(tag) =	ssettag $0x2  }
0x62: {  	s0 =	rddreg [dreg:$0x0];
	s2 =	stileid.u32  }
0x63: {  	s1 =	rddreg [dreg:$0x1];
	p0 =	sne.s32 s2, $0x0  }
0x64: {  	s3 =	rddreg [dreg:$0x2];
	[bflag:$0x3] =	sbarrier.arrive $0xFFFF;
	s2 =	simm.s32 @!p0 $0x1C05  }
0x65: {  	[timem:s3], [sflag:s2] =	dma.local @!p0 [hbm:s0], s1  }
0x66: {  	s0 =	simm.s32 @!p0 $0x5  }
0x67: {  	_ =	swait.ge @!p0 [sflag:s0], s1  }
0x68: {  	s1 =	ssub.s32 @!p0 $0x0, s1;
	[sflag:s0] =	ssyncset.done @!p0 $0x0  }
0x69: {  	[sflag:s0] =	ssyncadd.s32 @!p0 s1  }
0x6a: {  	[bflag:$0x3] =	sbarrier.arrive $0xFFFF  }
0x6b: {  	_ =	shalt  }

</sc_bundles>
